<compile_context>
chip_gen: v7x
topology: tpu7x:2x2x1
jax: 0.10.2.dev20260603
libtpu: 0.0.44.dev20260713+nightly
codegen_flags: <defaults>
</compile_context>

<pallas_src>
import functools

import jax
import jax.numpy as jnp
from jax import lax
from jax.experimental import pallas as pl
from jax.experimental.pallas import tpu as pltpu
from jax.experimental.pallas import tpu_sc as plsc

N_FIELDS = 26
CARD = 10000
EMB_D = 101
D_MODEL = 128
BATCH = 16384
EPS = 1e-5

TOTAL = N_FIELDS * BATCH
BM = 10000

NC = 2
NS = 16
NW = NC * NS
PER_W = TOTAL // NW
B_PER_W = BATCH // NW
CH = 256
CH_PER_F = B_PER_W // CH
N_CHUNKS = N_FIELDS * CH_PER_F
LOG2_BATCH = 14


def _tc_project_body(tbl_ref, w_ref, b_ref, g_ref, be_ref, out_ref):
    emb = tbl_ref[0]
    w = w_ref[0]
    prj = jnp.dot(emb, w, preferred_element_type=jnp.float32)
    prj = prj + b_ref[0][0][None, :]
    mean = jnp.mean(prj, axis=-1, keepdims=True)
    cent = prj - mean
    var = jnp.mean(cent * cent, axis=-1, keepdims=True)
    inv = lax.rsqrt(var + EPS)
    out_ref[0] = cent * inv * g_ref[0][0][None, :] + be_ref[0][0][None, :]


def _project_tables(tables, W, b, gamma, beta):
    b3 = b[:, None, :]
    g3 = gamma[:, None, :]
    be3 = beta[:, None, :]
    return pl.pallas_call(
        _tc_project_body,
        grid=(N_FIELDS, CARD // BM),
        in_specs=[
            pl.BlockSpec((1, BM, EMB_D), lambda f, m: (f, m, 0)),
            pl.BlockSpec((1, EMB_D, D_MODEL), lambda f, m: (f, 0, 0)),
            pl.BlockSpec((1, 1, D_MODEL), lambda f, m: (f, 0, 0)),
            pl.BlockSpec((1, 1, D_MODEL), lambda f, m: (f, 0, 0)),
            pl.BlockSpec((1, 1, D_MODEL), lambda f, m: (f, 0, 0)),
        ],
        out_specs=pl.BlockSpec((1, BM, D_MODEL), lambda f, m: (f, m, 0)),
        out_shape=jax.ShapeDtypeStruct((N_FIELDS, CARD, D_MODEL), jnp.float32),
        compiler_params=pltpu.CompilerParams(
            allow_input_fusion=[True, False, False, False, False]
        ),
    )(tables, W, b3, g3, be3)


BT = 2048


def _tc_transpose_body(x_ref, out_ref):
    xt = x_ref[...].T
    foff = lax.broadcasted_iota(jnp.int32, (N_FIELDS, BT), 0) * CARD
    out_ref[...] = xt + foff


def _global_indices(x):
    return pl.pallas_call(
        _tc_transpose_body,
        grid=(BATCH // BT,),
        in_specs=[pl.BlockSpec((BT, N_FIELDS), lambda m: (m, 0))],
        out_specs=pl.BlockSpec((N_FIELDS, BT), lambda m: (0, m)),
        out_shape=jax.ShapeDtypeStruct((N_FIELDS, BATCH), jnp.int32),
    )(x)


def _sc_gather_body(
    gidx_hbm, table_hbm, out_hbm, idx2_v, idx_v, rows_v, x_sem, g_sem, w_sem
):
    wid = lax.axis_index("s") * NC + lax.axis_index("c")
    b0 = wid * B_PER_W

    pltpu.sync_copy(gidx_hbm.at[:, pl.ds(b0, B_PER_W)], idx2_v)

    def flatten(k, carry):
        f = lax.shift_right_logical(k, 5)
        j = lax.bitwise_and(k, 31)
        idx_v[pl.ds(k * 16, 16)] = idx2_v[f, pl.ds(j * 16, 16)]
        return carry

    lax.fori_loop(0, N_FIELDS * (B_PER_W // 16), flatten, 0)

    def gather(j, buf):
        return pltpu.make_async_copy(
            table_hbm.at[idx_v.at[pl.ds(j * CH, CH)]], rows_v.at[buf], g_sem
        )

    def write(j, buf):
        f = lax.shift_right_logical(j, 1)
        h = lax.bitwise_and(j, 1)
        return pltpu.make_async_copy(
            rows_v.at[buf],
            out_hbm.at[pl.ds(f * BATCH + b0 + h * CH, CH)],
            w_sem,
        )

    gather(0, 0).start()
    gather(1, 1).start()
    gather(0, 0).wait()
    write(0, 0).start()
    gather(2, 2).start()

    def chunk(j, carry):
        b = lax.rem(j, 3)
        nb = lax.rem(j + 2, 3)
        gather(j, b).wait()
        write(j, b).start()
        write(j - 1, nb).wait()
        gather(j + 2, nb).start()
        return carry

    lax.fori_loop(1, N_CHUNKS - 2, chunk, 0)

    j = N_CHUNKS - 2
    b = j % 3
    gather(j, b).wait()
    write(j, b).start()
    write(j - 1, (j + 2) % 3).wait()
    j = N_CHUNKS - 1
    b = j % 3
    gather(j, b).wait()
    write(j, b).start()
    write(j - 1, (j + 2) % 3).wait()
    write(j, b).wait()


@functools.cache
def _make_sc_gather():
    return pl.kernel(
        _sc_gather_body,
        out_type=jax.ShapeDtypeStruct((TOTAL, D_MODEL), jnp.float32),
        mesh=plsc.VectorSubcoreMesh(core_axis_name="c", subcore_axis_name="s"),
        scratch_types=[
            pltpu.VMEM((N_FIELDS, B_PER_W), jnp.int32),
            pltpu.VMEM((N_FIELDS * B_PER_W,), jnp.int32),
            pltpu.VMEM((3, CH, D_MODEL), jnp.float32),
            pltpu.SemaphoreType.DMA,
            pltpu.SemaphoreType.DMA,
            pltpu.SemaphoreType.DMA,
        ],
    )


def kernel(x, tables, W, b, gamma, beta):
    norm_table = _project_tables(tables, W, b, gamma, beta)
    gidx = _global_indices(x)
    out = _make_sc_gather()(gidx, norm_table.reshape(N_FIELDS * CARD, D_MODEL))
    return out.reshape(N_FIELDS, BATCH, D_MODEL)

# --- scband reference (transcript-rebuilt; emitter-appended) ---
"""Pipeline reference for scband-categorical-embedding-15066745274952 (READ-ONLY COPY).

The authoritative reference and input builder live on the scoring server;
editing this copy changes nothing except your own understanding.
"""

import jax, jax.numpy as jnp
import numpy as np

N_FIELDS = 26
CARD = 10000
EMB_D = 101  # int(math.ceil(10000 ** 0.5) + 1)
D_MODEL = 128
BATCH = 16384
EPS = 1e-5


def setup_inputs(seed: int = 0) -> dict:
    key = jax.random.key(seed)
    k0, k1, k2 = jax.random.split(key, 3)
    x = jax.random.randint(k0, (BATCH, N_FIELDS), 0, CARD, dtype=jnp.int32)
    # Stacked per-field parameters (all cardinalities equal, so stacking is exact)
    tables = jax.random.normal(k1, (N_FIELDS, CARD, EMB_D), dtype=jnp.float32)  # nn.Embedding default N(0,1)
    lim = 1.0 / np.sqrt(EMB_D)
    W = jax.random.uniform(k2, (N_FIELDS, EMB_D, D_MODEL), dtype=jnp.float32, minval=-lim, maxval=lim)
    b = jnp.zeros((N_FIELDS, D_MODEL), dtype=jnp.float32)
    gamma = jnp.ones((N_FIELDS, D_MODEL), dtype=jnp.float32)
    beta = jnp.zeros((N_FIELDS, D_MODEL), dtype=jnp.float32)
    return {"x": x, "tables": tables, "W": W, "b": b, "gamma": gamma, "beta": beta}


def reference(x, tables, W, b, gamma, beta):
    # Per-field embedding lookup: for field i, emb_i = tables[i][x[:, i]]
    emb = jax.vmap(lambda t, idx: jnp.take(t, idx, axis=0))(tables, x.T)  # [F, B, EMB_D]
    # Per-field Linear(EMB_D -> D_MODEL)
    prj = jnp.einsum('fbe,fed->fbd', emb, W) + b[:, None, :]  # [F, B, D_MODEL]
    # Per-field LayerNorm over last dim (torch default: biased var, eps=1e-5)
    mean = jnp.mean(prj, axis=-1, keepdims=True)
    var = jnp.var(prj, axis=-1, keepdims=True)
    out = (prj - mean) / jnp.sqrt(var + EPS) * gamma[:, None, :] + beta[:, None, :]
    return out  # stack over fields: [n_categories, batch, d_model]

if __name__ == "__main__":
    import jax
    _d = setup_inputs()
    print(jax.jit(kernel)(*tuple(_d.values())))

</pallas_src>

<mosaic_0001>
#map = affine_map<(d0, d1) -> (0, 0)>
module attributes {stable_mosaic.version = 14 : i64} {
  func.func @_sc_gather_body(%arg0: i32, %arg1: i32, %arg2: memref<26x16384xi32, #tpu.memory_space<hbm>>, %arg3: memref<260000x128xf32, #tpu.memory_space<hbm>>, %arg4: memref<425984x128xf32, #tpu.memory_space<hbm>>, %arg5: memref<26x512xi32, #tpu.memory_space<vmem>>, %arg6: memref<13312xi32, #tpu.memory_space<vmem>>, %arg7: memref<3x256x128xf32, #tpu.memory_space<vmem>>, %arg8: memref<!tpu.dma_semaphore, #tpu.memory_space<semaphore_mem>>, %arg9: memref<!tpu.dma_semaphore, #tpu.memory_space<semaphore_mem>>, %arg10: memref<!tpu.dma_semaphore, #tpu.memory_space<semaphore_mem>>) attributes {dimension_semantics = [#tpu.dimension_semantics<core_parallel>, #tpu.dimension_semantics<subcore_parallel>], iteration_bounds = array<i64: 2, 16>, scalar_prefetch = 0 : i64, scratch_operands = 6 : i64, tpu.core_type = #tpu.core_type<sc_vector_subcore>, window_params = [{transform_indices = #map}, {transform_indices = #map}, {transform_indices = #map}]} {
    %mul3A = arith.constant 2 : i32
    %mul3A_0 = arith.muli %arg1, %mul3A : i32
    %add3A = arith.addi %mul3A_0, %arg0 : i32
    %mul3A_1 = arith.constant 512 : i32
    %mul3A_2 = arith.muli %add3A, %mul3A_1 : i32
    "tpu.region"() ({
      %run_scoped3A = tpu.sem_alloc : memref<!tpu.dma_semaphore, #tpu.memory_space<semaphore_mem>>
      %dma_start3A_220 = arith.constant 0 : i32
      %dma_start3A_221 = tpu.memref_slice %arg2[%dma_start3A_220, %mul3A_2] : memref<26x16384xi32, #tpu.memory_space<hbm>> -> memref<26x512xi32, #tpu.memory_space<hbm>>
      %dma_start3A_222 = arith.constant 0 : i32
      %dma_start3A_223 = tpu.memref_slice %arg2[%dma_start3A_222, %mul3A_2] : memref<26x16384xi32, #tpu.memory_space<hbm>> -> memref<26x512xi32, #tpu.memory_space<hbm>>
      tpu.enqueue_dma source(%dma_start3A_223 : memref<26x512xi32, #tpu.memory_space<hbm>>) target(%arg5 : memref<26x512xi32, #tpu.memory_space<vmem>>) target_semaphore(%run_scoped3A : memref<!tpu.dma_semaphore, #tpu.memory_space<semaphore_mem>>)
      %dma_wait3A_224 = arith.constant 0 : i32
      %dma_wait3A_225 = tpu.memref_slice %arg2[%dma_wait3A_224, %mul3A_2] : memref<26x16384xi32, #tpu.memory_space<hbm>> -> memref<26x512xi32, #tpu.memory_space<hbm>>
      %dma_wait3A_226 = arith.constant 0 : i32
      %dma_wait3A_227 = tpu.memref_slice %arg2[%dma_wait3A_226, %mul3A_2] : memref<26x16384xi32, #tpu.memory_space<hbm>> -> memref<26x512xi32, #tpu.memory_space<hbm>>
      tpu.wait_dma2 semaphore(%run_scoped3A : memref<!tpu.dma_semaphore, #tpu.memory_space<semaphore_mem>>) src(%dma_wait3A_227 : memref<26x512xi32, #tpu.memory_space<hbm>>) dst(%arg5 : memref<26x512xi32, #tpu.memory_space<vmem>>)
      tpu.yield
    }) : () -> ()
    %scan3A = arith.constant 0 : i32
    %scan3A_3 = arith.constant 0 : i32
    %scan3A_4 = arith.constant 832 : i32
    %scan3A_5 = arith.addi %scan3A_3, %scan3A_4 : i32
    %scan3A_6 = arith.constant 1 : i32
    scf.for %scan3A_220 = %scan3A_3 to %scan3A_5 step %scan3A_6  : i32 {
      %shift_right_logical3A_221 = arith.constant 5 : i32
      %shift_right_logical3A_222 = arith.shrui %scan3A_220, %shift_right_logical3A_221 : i32
      %and3A_223 = arith.constant 31 : i32
      %and3A_224 = arith.andi %scan3A_220, %and3A_223 : i32
      %mul3A_225 = arith.constant 16 : i32
      %mul3A_226 = arith.muli %and3A_224, %mul3A_225 : i32
      %get3A = arith.index_cast %shift_right_logical3A_222 : i32 to index
      %get3A_227 = arith.index_cast %mul3A_226 : i32 to index
      %get3A_228 = tpu.vector_load %arg5[%get3A, %get3A_227] {strides = array<i32>} : memref<26x512xi32, #tpu.memory_space<vmem>>, vector<1x16xi32>,
      %get3A_229 = vector.shape_cast %get3A_228 : vector<1x16xi32> to vector<16xi32>
      %mul3A_230 = arith.constant 16 : i32
      %mul3A_231 = arith.muli %scan3A_220, %mul3A_230 : i32
      %swap3A = arith.index_cast %mul3A_231 : i32 to index
      %swap3A_232 = tpu.vector_load %arg6[%swap3A] {strides = array<i32>} : memref<13312xi32, #tpu.memory_space<vmem>>, vector<16xi32>,
      %swap3A_233 = vector.shape_cast %swap3A_232 : vector<16xi32> to vector<16xi32>
      %swap3A_234 = vector.shape_cast %get3A_229 : vector<16xi32> to vector<16xi32>
      tpu.vector_store %arg6[%swap3A], %swap3A_234 {strides = array<i32>} : memref<13312xi32, #tpu.memory_space<vmem>>, vector<16xi32>,
    }
    %scan3A_7 = arith.constant 832 : i32
    %dma_start3A = arith.constant 0 : i32
    %dma_start3A_8 = arith.constant 0 : i32
    %dma_start3A_9 = arith.constant 0 : i32
    %dma_start3A_10 = tpu.memref_slice %arg7[%dma_start3A, %dma_start3A_8, %dma_start3A_9] : memref<3x256x128xf32, #tpu.memory_space<vmem>> -> memref<1x256x128xf32, #tpu.memory_space<vmem>>
    %dma_start3A_11 = tpu.memref_squeeze %dma_start3A_10 : memref<1x256x128xf32, #tpu.memory_space<vmem>> -> memref<256x128xf32, #tpu.memory_space<vmem>>
    %dma_start3A_12 = arith.constant 0 : i32
    %dma_start3A_13 = tpu.memref_slice %arg6[%dma_start3A_12] : memref<13312xi32, #tpu.memory_space<vmem>> -> memref<256xi32, #tpu.memory_space<vmem>>
    %dma_start3A_14 = arith.constant 0 : i32
    %dma_start3A_15 = arith.constant 0 : i32
    %dma_start3A_16 = tpu.memref_slice %arg3[%dma_start3A_14, %dma_start3A_15] : memref<260000x128xf32, #tpu.memory_space<hbm>> -> memref<260000x128xf32, #tpu.memory_space<hbm>>
    tpu.enqueue_indirect_dma source(%dma_start3A_16 : memref<260000x128xf32, #tpu.memory_space<hbm>>) target(%dma_start3A_11 : memref<256x128xf32, #tpu.memory_space<vmem>>) offsets(%dma_start3A_13 : memref<256xi32, #tpu.memory_space<vmem>>) semaphore(%arg9 : memref<!tpu.dma_semaphore, #tpu.memory_space<semaphore_mem>>)
    %dma_start3A_17 = arith.constant 1 : i32
    %dma_start3A_18 = arith.constant 0 : i32
    %dma_start3A_19 = arith.constant 0 : i32
    %dma_start3A_20 = tpu.memref_slice %arg7[%dma_start3A_17, %dma_start3A_18, %dma_start3A_19] : memref<3x256x128xf32, #tpu.memory_space<vmem>> -> memref<1x256x128xf32, #tpu.memory_space<vmem>>
    %dma_start3A_21 = tpu.memref_squeeze %dma_start3A_20 : memref<1x256x128xf32, #tpu.memory_space<vmem>> -> memref<256x128xf32, #tpu.memory_space<vmem>>
    %dma_start3A_22 = arith.constant 256 : i32
    %dma_start3A_23 = tpu.memref_slice %arg6[%dma_start3A_22] : memref<13312xi32, #tpu.memory_space<vmem>> -> memref<256xi32, #tpu.memory_space<vmem>>
    %dma_start3A_24 = arith.constant 0 : i32
    %dma_start3A_25 = arith.constant 0 : i32
    %dma_start3A_26 = tpu.memref_slice %arg3[%dma_start3A_24, %dma_start3A_25] : memref<260000x128xf32, #tpu.memory_space<hbm>> -> memref<260000x128xf32, #tpu.memory_space<hbm>>
    tpu.enqueue_indirect_dma source(%dma_start3A_26 : memref<260000x128xf32, #tpu.memory_space<hbm>>) target(%dma_start3A_21 : memref<256x128xf32, #tpu.memory_space<vmem>>) offsets(%dma_start3A_23 : memref<256xi32, #tpu.memory_space<vmem>>) semaphore(%arg9 : memref<!tpu.dma_semaphore, #tpu.memory_space<semaphore_mem>>)
    %dma_wait3A = arith.constant 0 : i32
    %dma_wait3A_27 = arith.constant 0 : i32
    %dma_wait3A_28 = arith.constant 0 : i32
    %dma_wait3A_29 = tpu.memref_slice %arg7[%dma_wait3A, %dma_wait3A_27, %dma_wait3A_28] : memref<3x256x128xf32, #tpu.memory_space<vmem>> -> memref<1x256x128xf32, #tpu.memory_space<vmem>>
    %dma_wait3A_30 = tpu.memref_squeeze %dma_wait3A_29 : memref<1x256x128xf32, #tpu.memory_space<vmem>> -> memref<256x128xf32, #tpu.memory_space<vmem>>
    %dma_wait3A_31 = arith.constant 0 : i32
    %dma_wait3A_32 = tpu.memref_slice %arg6[%dma_wait3A_31] : memref<13312xi32, #tpu.memory_space<vmem>> -> memref<256xi32, #tpu.memory_space<vmem>>
    %dma_wait3A_33 = arith.constant 0 : i32
    %dma_wait3A_34 = arith.constant 0 : i32
    %dma_wait3A_35 = tpu.memref_slice %arg3[%dma_wait3A_33, %dma_wait3A_34] : memref<260000x128xf32, #tpu.memory_space<hbm>> -> memref<260000x128xf32, #tpu.memory_space<hbm>>
    tpu.wait_indirect_dma semaphore(%arg9 : memref<!tpu.dma_semaphore, #tpu.memory_space<semaphore_mem>>) src(%dma_wait3A_35 : memref<260000x128xf32, #tpu.memory_space<hbm>>) dst(%dma_wait3A_30 : memref<256x128xf32, #tpu.memory_space<vmem>>)
    %shift_right_logical3A = arith.constant 0 : i32
    %shift_right_logical3A_36 = arith.constant 1 : i32
    %shift_right_logical3A_37 = arith.shrui %shift_right_logical3A, %shift_right_logical3A_36 : i32
    %and3A = arith.constant 0 : i32
    %and3A_38 = arith.constant 1 : i32
    %and3A_39 = arith.andi %and3A, %and3A_38 : i32
    %mul3A_40 = arith.constant 16384 : i32
    %mul3A_41 = arith.muli %shift_right_logical3A_37, %mul3A_40 : i32
    %add3A_42 = arith.addi %mul3A_41, %mul3A_2 : i32
    %mul3A_43 = arith.constant 256 : i32
    %mul3A_44 = arith.muli %and3A_39, %mul3A_43 : i32
    %add3A_45 = arith.addi %add3A_42, %mul3A_44 : i32
    %dma_start3A_46 = arith.constant 0 : i32
    %dma_start3A_47 = arith.constant 0 : i32
    %dma_start3A_48 = arith.constant 0 : i32
    %dma_start3A_49 = tpu.memref_slice %arg7[%dma_start3A_46, %dma_start3A_47, %dma_start3A_48] : memref<3x256x128xf32, #tpu.memory_space<vmem>> -> memref<1x256x128xf32, #tpu.memory_space<vmem>>
    %dma_start3A_50 = tpu.memref_squeeze %dma_start3A_49 : memref<1x256x128xf32, #tpu.memory_space<vmem>> -> memref<256x128xf32, #tpu.memory_space<vmem>>
    %dma_start3A_51 = arith.constant 0 : i32
    %dma_start3A_52 = tpu.memref_slice %arg4[%add3A_45, %dma_start3A_51] : memref<425984x128xf32, #tpu.memory_space<hbm>> -> memref<256x128xf32, #tpu.memory_space<hbm>>
    %dma_start3A_53 = arith.constant 0 : i32
    %dma_start3A_54 = tpu.memref_slice %arg4[%add3A_45, %dma_start3A_53] : memref<425984x128xf32, #tpu.memory_space<hbm>> -> memref<256x128xf32, #tpu.memory_space<hbm>>
    %dma_start3A_55 = arith.constant 0 : i32
    %dma_start3A_56 = arith.constant 0 : i32
    %dma_start3A_57 = tpu.memref_slice %arg7[%dma_start3A_46, %dma_start3A_55, %dma_start3A_56] : memref<3x256x128xf32, #tpu.memory_space<vmem>> -> memref<1x256x128xf32, #tpu.memory_space<vmem>>
    %dma_start3A_58 = tpu.memref_squeeze %dma_start3A_57 : memref<1x256x128xf32, #tpu.memory_space<vmem>> -> memref<256x128xf32, #tpu.memory_space<vmem>>
    tpu.enqueue_dma source(%dma_start3A_58 : memref<256x128xf32, #tpu.memory_space<vmem>>) target(%dma_start3A_54 : memref<256x128xf32, #tpu.memory_space<hbm>>) target_semaphore(%arg10 : memref<!tpu.dma_semaphore, #tpu.memory_space<semaphore_mem>>)
    %dma_start3A_59 = arith.constant 2 : i32
    %dma_start3A_60 = arith.constant 0 : i32
    %dma_start3A_61 = arith.constant 0 : i32
    %dma_start3A_62 = tpu.memref_slice %arg7[%dma_start3A_59, %dma_start3A_60, %dma_start3A_61] : memref<3x256x128xf32, #tpu.memory_space<vmem>> -> memref<1x256x128xf32, #tpu.memory_space<vmem>>
    %dma_start3A_63 = tpu.memref_squeeze %dma_start3A_62 : memref<1x256x128xf32, #tpu.memory_space<vmem>> -> memref<256x128xf32, #tpu.memory_space<vmem>>
    %dma_start3A_64 = arith.constant 512 : i32
    %dma_start3A_65 = tpu.memref_slice %arg6[%dma_start3A_64] : memref<13312xi32, #tpu.memory_space<vmem>> -> memref<256xi32, #tpu.memory_space<vmem>>
    %dma_start3A_66 = arith.constant 0 : i32
    %dma_start3A_67 = arith.constant 0 : i32
    %dma_start3A_68 = tpu.memref_slice %arg3[%dma_start3A_66, %dma_start3A_67] : memref<260000x128xf32, #tpu.memory_space<hbm>> -> memref<260000x128xf32, #tpu.memory_space<hbm>>
    tpu.enqueue_indirect_dma source(%dma_start3A_68 : memref<260000x128xf32, #tpu.memory_space<hbm>>) target(%dma_start3A_63 : memref<256x128xf32, #tpu.memory_space<vmem>>) offsets(%dma_start3A_65 : memref<256xi32, #tpu.memory_space<vmem>>) semaphore(%arg9 : memref<!tpu.dma_semaphore, #tpu.memory_space<semaphore_mem>>)
    %scan3A_69 = arith.constant 0 : i32
    %scan3A_70 = arith.constant 1 : i32
    %scan3A_71 = arith.constant 49 : i32
    %scan3A_72 = arith.addi %scan3A_70, %scan3A_71 : i32
    %scan3A_73 = arith.constant 1 : i32
    scf.for %scan3A_220 = %scan3A_70 to %scan3A_72 step %scan3A_73  : i32 {
      %rem3A = arith.constant 3 : i32
      %rem3A_221 = arith.remsi %scan3A_220, %rem3A : i32
      %add3A_222 = arith.constant 2 : i32
      %add3A_223 = arith.addi %scan3A_220, %add3A_222 : i32
      %rem3A_224 = arith.constant 3 : i32
      %rem3A_225 = arith.remsi %add3A_223, %rem3A_224 : i32
      %mul3A_226 = arith.constant 256 : i32
      %mul3A_227 = arith.muli %scan3A_220, %mul3A_226 : i32
      %dma_wait3A_228 = arith.constant 0 : i32
      %dma_wait3A_229 = arith.constant 0 : i32
      %dma_wait3A_230 = tpu.memref_slice %arg7[%rem3A_221, %dma_wait3A_228, %dma_wait3A_229] : memref<3x256x128xf32, #tpu.memory_space<vmem>> -> memref<1x256x128xf32, #tpu.memory_space<vmem>>
      %dma_wait3A_231 = tpu.memref_squeeze %dma_wait3A_230 : memref<1x256x128xf32, #tpu.memory_space<vmem>> -> memref<256x128xf32, #tpu.memory_space<vmem>>
      %dma_wait3A_232 = tpu.memref_slice %arg6[%mul3A_227] : memref<13312xi32, #tpu.memory_space<vmem>> -> memref<256xi32, #tpu.memory_space<vmem>>
      %dma_wait3A_233 = arith.constant 0 : i32
      %dma_wait3A_234 = arith.constant 0 : i32
      %dma_wait3A_235 = tpu.memref_slice %arg3[%dma_wait3A_233, %dma_wait3A_234] : memref<260000x128xf32, #tpu.memory_space<hbm>> -> memref<260000x128xf32, #tpu.memory_space<hbm>>
      tpu.wait_indirect_dma semaphore(%arg9 : memref<!tpu.dma_semaphore, #tpu.memory_space<semaphore_mem>>) src(%dma_wait3A_235 : memref<260000x128xf32, #tpu.memory_space<hbm>>) dst(%dma_wait3A_231 : memref<256x128xf32, #tpu.memory_space<vmem>>)
      %shift_right_logical3A_236 = arith.constant 1 : i32
      %shift_right_logical3A_237 = arith.shrui %scan3A_220, %shift_right_logical3A_236 : i32
      %and3A_238 = arith.constant 1 : i32
      %and3A_239 = arith.andi %scan3A_220, %and3A_238 : i32
      %mul3A_240 = arith.constant 16384 : i32
      %mul3A_241 = arith.muli %shift_right_logical3A_237, %mul3A_240 : i32
      %add3A_242 = arith.addi %mul3A_241, %mul3A_2 : i32
      %mul3A_243 = arith.constant 256 : i32
      %mul3A_244 = arith.muli %and3A_239, %mul3A_243 : i32
      %add3A_245 = arith.addi %add3A_242, %mul3A_244 : i32
      %dma_start3A_246 = arith.constant 0 : i32
      %dma_start3A_247 = arith.constant 0 : i32
      %dma_start3A_248 = tpu.memref_slice %arg7[%rem3A_221, %dma_start3A_246, %dma_start3A_247] : memref<3x256x128xf32, #tpu.memory_space<vmem>> -> memref<1x256x128xf32, #tpu.memory_space<vmem>>
      %dma_start3A_249 = tpu.memref_squeeze %dma_start3A_248 : memref<1x256x128xf32, #tpu.memory_space<vmem>> -> memref<256x128xf32, #tpu.memory_space<vmem>>
      %dma_start3A_250 = arith.constant 0 : i32
      %dma_start3A_251 = tpu.memref_slice %arg4[%add3A_245, %dma_start3A_250] : memref<425984x128xf32, #tpu.memory_space<hbm>> -> memref<256x128xf32, #tpu.memory_space<hbm>>
      %dma_start3A_252 = arith.constant 0 : i32
      %dma_start3A_253 = tpu.memref_slice %arg4[%add3A_245, %dma_start3A_252] : memref<425984x128xf32, #tpu.memory_space<hbm>> -> memref<256x128xf32, #tpu.memory_space<hbm>>
      %dma_start3A_254 = arith.constant 0 : i32
      %dma_start3A_255 = arith.constant 0 : i32
      %dma_start3A_256 = tpu.memref_slice %arg7[%rem3A_221, %dma_start3A_254, %dma_start3A_255] : memref<3x256x128xf32, #tpu.memory_space<vmem>> -> memref<1x256x128xf32, #tpu.memory_space<vmem>>
      %dma_start3A_257 = tpu.memref_squeeze %dma_start3A_256 : memref<1x256x128xf32, #tpu.memory_space<vmem>> -> memref<256x128xf32, #tpu.memory_space<vmem>>
      tpu.enqueue_dma source(%dma_start3A_257 : memref<256x128xf32, #tpu.memory_space<vmem>>) target(%dma_start3A_253 : memref<256x128xf32, #tpu.memory_space<hbm>>) target_semaphore(%arg10 : memref<!tpu.dma_semaphore, #tpu.memory_space<semaphore_mem>>)
      %sub3A = arith.constant 1 : i32
      %sub3A_258 = arith.subi %scan3A_220, %sub3A : i32
      %shift_right_logical3A_259 = arith.constant 1 : i32
      %shift_right_logical3A_260 = arith.shrui %sub3A_258, %shift_right_logical3A_259 : i32
      %and3A_261 = arith.constant 1 : i32
      %and3A_262 = arith.andi %sub3A_258, %and3A_261 : i32
      %mul3A_263 = arith.constant 16384 : i32
      %mul3A_264 = arith.muli %shift_right_logical3A_260, %mul3A_263 : i32
      %add3A_265 = arith.addi %mul3A_264, %mul3A_2 : i32
      %mul3A_266 = arith.constant 256 : i32
      %mul3A_267 = arith.muli %and3A_262, %mul3A_266 : i32
      %add3A_268 = arith.addi %add3A_265, %mul3A_267 : i32
      %dma_wait3A_269 = arith.constant 0 : i32
      %dma_wait3A_270 = arith.constant 0 : i32
      %dma_wait3A_271 = tpu.memref_slice %arg7[%rem3A_225, %dma_wait3A_269, %dma_wait3A_270] : memref<3x256x128xf32, #tpu.memory_space<vmem>> -> memref<1x256x128xf32, #tpu.memory_space<vmem>>
      %dma_wait3A_272 = tpu.memref_squeeze %dma_wait3A_271 : memref<1x256x128xf32, #tpu.memory_space<vmem>> -> memref<256x128xf32, #tpu.memory_space<vmem>>
      %dma_wait3A_273 = arith.constant 0 : i32
      %dma_wait3A_274 = tpu.memref_slice %arg4[%add3A_268, %dma_wait3A_273] : memref<425984x128xf32, #tpu.memory_space<hbm>> -> memref<256x128xf32, #tpu.memory_space<hbm>>
      %dma_wait3A_275 = arith.constant 0 : i32
      %dma_wait3A_276 = tpu.memref_slice %arg4[%add3A_268, %dma_wait3A_275] : memref<425984x128xf32, #tpu.memory_space<hbm>> -> memref<256x128xf32, #tpu.memory_space<hbm>>
      %dma_wait3A_277 = arith.constant 0 : i32
      %dma_wait3A_278 = arith.constant 0 : i32
      %dma_wait3A_279 = tpu.memref_slice %arg7[%rem3A_225, %dma_wait3A_277, %dma_wait3A_278] : memref<3x256x128xf32, #tpu.memory_space<vmem>> -> memref<1x256x128xf32, #tpu.memory_space<vmem>>
      %dma_wait3A_280 = tpu.memref_squeeze %dma_wait3A_279 : memref<1x256x128xf32, #tpu.memory_space<vmem>> -> memref<256x128xf32, #tpu.memory_space<vmem>>
      tpu.wait_dma2 semaphore(%arg10 : memref<!tpu.dma_semaphore, #tpu.memory_space<semaphore_mem>>) src(%dma_wait3A_280 : memref<256x128xf32, #tpu.memory_space<vmem>>) dst(%dma_wait3A_276 : memref<256x128xf32, #tpu.memory_space<hbm>>)
      %add3A_281 = arith.constant 2 : i32
      %add3A_282 = arith.addi %scan3A_220, %add3A_281 : i32
      %mul3A_283 = arith.constant 256 : i32
      %mul3A_284 = arith.muli %add3A_282, %mul3A_283 : i32
      %dma_start3A_285 = arith.constant 0 : i32
      %dma_start3A_286 = arith.constant 0 : i32
      %dma_start3A_287 = tpu.memref_slice %arg7[%rem3A_225, %dma_start3A_285, %dma_start3A_286] : memref<3x256x128xf32, #tpu.memory_space<vmem>> -> memref<1x256x128xf32, #tpu.memory_space<vmem>>
      %dma_start3A_288 = tpu.memref_squeeze %dma_start3A_287 : memref<1x256x128xf32, #tpu.memory_space<vmem>> -> memref<256x128xf32, #tpu.memory_space<vmem>>
      %dma_start3A_289 = tpu.memref_slice %arg6[%mul3A_284] : memref<13312xi32, #tpu.memory_space<vmem>> -> memref<256xi32, #tpu.memory_space<vmem>>
      %dma_start3A_290 = arith.constant 0 : i32
      %dma_start3A_291 = arith.constant 0 : i32
      %dma_start3A_292 = tpu.memref_slice %arg3[%dma_start3A_290, %dma_start3A_291] : memref<260000x128xf32, #tpu.memory_space<hbm>> -> memref<260000x128xf32, #tpu.memory_space<hbm>>
      tpu.enqueue_indirect_dma source(%dma_start3A_292 : memref<260000x128xf32, #tpu.memory_space<hbm>>) target(%dma_start3A_288 : memref<256x128xf32, #tpu.memory_space<vmem>>) offsets(%dma_start3A_289 : memref<256xi32, #tpu.memory_space<vmem>>) semaphore(%arg9 : memref<!tpu.dma_semaphore, #tpu.memory_space<semaphore_mem>>)
    }
    %scan3A_74 = arith.constant 49 : i32
    %dma_wait3A_75 = arith.constant 2 : i32
    %dma_wait3A_76 = arith.constant 0 : i32
    %dma_wait3A_77 = arith.constant 0 : i32
    %dma_wait3A_78 = tpu.memref_slice %arg7[%dma_wait3A_75, %dma_wait3A_76, %dma_wait3A_77] : memref<3x256x128xf32, #tpu.memory_space<vmem>> -> memref<1x256x128xf32, #tpu.memory_space<vmem>>
    %dma_wait3A_79 = tpu.memref_squeeze %dma_wait3A_78 : memref<1x256x128xf32, #tpu.memory_space<vmem>> -> memref<256x128xf32, #tpu.memory_space<vmem>>
    %dma_wait3A_80 = arith.constant 12800 : i32
    %dma_wait3A_81 = tpu.memref_slice %arg6[%dma_wait3A_80] : memref<13312xi32, #tpu.memory_space<vmem>> -> memref<256xi32, #tpu.memory_space<vmem>>
    %dma_wait3A_82 = arith.constant 0 : i32
    %dma_wait3A_83 = arith.constant 0 : i32
    %dma_wait3A_84 = tpu.memref_slice %arg3[%dma_wait3A_82, %dma_wait3A_83] : memref<260000x128xf32, #tpu.memory_space<hbm>> -> memref<260000x128xf32, #tpu.memory_space<hbm>>
    tpu.wait_indirect_dma semaphore(%arg9 : memref<!tpu.dma_semaphore, #tpu.memory_space<semaphore_mem>>) src(%dma_wait3A_84 : memref<260000x128xf32, #tpu.memory_space<hbm>>) dst(%dma_wait3A_79 : memref<256x128xf32, #tpu.memory_space<vmem>>)
    %shift_right_logical3A_85 = arith.constant 50 : i32
    %shift_right_logical3A_86 = arith.constant 1 : i32
    %shift_right_logical3A_87 = arith.shrui %shift_right_logical3A_85, %shift_right_logical3A_86 : i32
    %and3A_88 = arith.constant 50 : i32
    %and3A_89 = arith.constant 1 : i32
    %and3A_90 = arith.andi %and3A_88, %and3A_89 : i32
    %mul3A_91 = arith.constant 16384 : i32
    %mul3A_92 = arith.muli %shift_right_logical3A_87, %mul3A_91 : i32
    %add3A_93 = arith.addi %mul3A_92, %mul3A_2 : i32
    %mul3A_94 = arith.constant 256 : i32
    %mul3A_95 = arith.muli %and3A_90, %mul3A_94 : i32
    %add3A_96 = arith.addi %add3A_93, %mul3A_95 : i32
    %dma_start3A_97 = arith.constant 2 : i32
    %dma_start3A_98 = arith.constant 0 : i32
    %dma_start3A_99 = arith.constant 0 : i32
    %dma_start3A_100 = tpu.memref_slice %arg7[%dma_start3A_97, %dma_start3A_98, %dma_start3A_99] : memref<3x256x128xf32, #tpu.memory_space<vmem>> -> memref<1x256x128xf32, #tpu.memory_space<vmem>>
    %dma_start3A_101 = tpu.memref_squeeze %dma_start3A_100 : memref<1x256x128xf32, #tpu.memory_space<vmem>> -> memref<256x128xf32, #tpu.memory_space<vmem>>
    %dma_start3A_102 = arith.constant 0 : i32
    %dma_start3A_103 = tpu.memref_slice %arg4[%add3A_96, %dma_start3A_102] : memref<425984x128xf32, #tpu.memory_space<hbm>> -> memref<256x128xf32, #tpu.memory_space<hbm>>
    %dma_start3A_104 = arith.constant 0 : i32
    %dma_start3A_105 = tpu.memref_slice %arg4[%add3A_96, %dma_start3A_104] : memref<425984x128xf32, #tpu.memory_space<hbm>> -> memref<256x128xf32, #tpu.memory_space<hbm>>
    %dma_start3A_106 = arith.constant 0 : i32
    %dma_start3A_107 = arith.constant 0 : i32
    %dma_start3A_108 = tpu.memref_slice %arg7[%dma_start3A_97, %dma_start3A_106, %dma_start3A_107] : memref<3x256x128xf32, #tpu.memory_space<vmem>> -> memref<1x256x128xf32, #tpu.memory_space<vmem>>
    %dma_start3A_109 = tpu.memref_squeeze %dma_start3A_108 : memref<1x256x128xf32, #tpu.memory_space<vmem>> -> memref<256x128xf32, #tpu.memory_space<vmem>>
    tpu.enqueue_dma source(%dma_start3A_109 : memref<256x128xf32, #tpu.memory_space<vmem>>) target(%dma_start3A_105 : memref<256x128xf32, #tpu.memory_space<hbm>>) target_semaphore(%arg10 : memref<!tpu.dma_semaphore, #tpu.memory_space<semaphore_mem>>)
    %shift_right_logical3A_110 = arith.constant 49 : i32
    %shift_right_logical3A_111 = arith.constant 1 : i32
    %shift_right_logical3A_112 = arith.shrui %shift_right_logical3A_110, %shift_right_logical3A_111 : i32
    %and3A_113 = arith.constant 49 : i32
    %and3A_114 = arith.constant 1 : i32
    %and3A_115 = arith.andi %and3A_113, %and3A_114 : i32
    %mul3A_116 = arith.constant 16384 : i32
    %mul3A_117 = arith.muli %shift_right_logical3A_112, %mul3A_116 : i32
    %add3A_118 = arith.addi %mul3A_117, %mul3A_2 : i32
    %mul3A_119 = arith.constant 256 : i32
    %mul3A_120 = arith.muli %and3A_115, %mul3A_119 : i32
    %add3A_121 = arith.addi %add3A_118, %mul3A_120 : i32
    %dma_wait3A_122 = arith.constant 1 : i32
    %dma_wait3A_123 = arith.constant 0 : i32
    %dma_wait3A_124 = arith.constant 0 : i32
    %dma_wait3A_125 = tpu.memref_slice %arg7[%dma_wait3A_122, %dma_wait3A_123, %dma_wait3A_124] : memref<3x256x128xf32, #tpu.memory_space<vmem>> -> memref<1x256x128xf32, #tpu.memory_space<vmem>>
    %dma_wait3A_126 = tpu.memref_squeeze %dma_wait3A_125 : memref<1x256x128xf32, #tpu.memory_space<vmem>> -> memref<256x128xf32, #tpu.memory_space<vmem>>
    %dma_wait3A_127 = arith.constant 0 : i32
    %dma_wait3A_128 = tpu.memref_slice %arg4[%add3A_121, %dma_wait3A_127] : memref<425984x128xf32, #tpu.memory_space<hbm>> -> memref<256x128xf32, #tpu.memory_space<hbm>>
    %dma_wait3A_129 = arith.constant 0 : i32
    %dma_wait3A_130 = tpu.memref_slice %arg4[%add3A_121, %dma_wait3A_129] : memref<425984x128xf32, #tpu.memory_space<hbm>> -> memref<256x128xf32, #tpu.memory_space<hbm>>
    %dma_wait3A_131 = arith.constant 0 : i32
    %dma_wait3A_132 = arith.constant 0 : i32
    %dma_wait3A_133 = tpu.memref_slice %arg7[%dma_wait3A_122, %dma_wait3A_131, %dma_wait3A_132] : memref<3x256x128xf32, #tpu.memory_space<vmem>> -> memref<1x256x128xf32, #tpu.memory_space<vmem>>
    %dma_wait3A_134 = tpu.memref_squeeze %dma_wait3A_133 : memref<1x256x128xf32, #tpu.memory_space<vmem>> -> memref<256x128xf32, #tpu.memory_space<vmem>>
    tpu.wait_dma2 semaphore(%arg10 : memref<!tpu.dma_semaphore, #tpu.memory_space<semaphore_mem>>) src(%dma_wait3A_134 : memref<256x128xf32, #tpu.memory_space<vmem>>) dst(%dma_wait3A_130 : memref<256x128xf32, #tpu.memory_space<hbm>>)
    %dma_wait3A_135 = arith.constant 0 : i32
    %dma_wait3A_136 = arith.constant 0 : i32
    %dma_wait3A_137 = arith.constant 0 : i32
    %dma_wait3A_138 = tpu.memref_slice %arg7[%dma_wait3A_135, %dma_wait3A_136, %dma_wait3A_137] : memref<3x256x128xf32, #tpu.memory_space<vmem>> -> memref<1x256x128xf32, #tpu.memory_space<vmem>>
    %dma_wait3A_139 = tpu.memref_squeeze %dma_wait3A_138 : memref<1x256x128xf32, #tpu.memory_space<vmem>> -> memref<256x128xf32, #tpu.memory_space<vmem>>
    %dma_wait3A_140 = arith.constant 13056 : i32
    %dma_wait3A_141 = tpu.memref_slice %arg6[%dma_wait3A_140] : memref<13312xi32, #tpu.memory_space<vmem>> -> memref<256xi32, #tpu.memory_space<vmem>>
    %dma_wait3A_142 = arith.constant 0 : i32
    %dma_wait3A_143 = arith.constant 0 : i32
    %dma_wait3A_144 = tpu.memref_slice %arg3[%dma_wait3A_142, %dma_wait3A_143] : memref<260000x128xf32, #tpu.memory_space<hbm>> -> memref<260000x128xf32, #tpu.memory_space<hbm>>
    tpu.wait_indirect_dma semaphore(%arg9 : memref<!tpu.dma_semaphore, #tpu.memory_space<semaphore_mem>>) src(%dma_wait3A_144 : memref<260000x128xf32, #tpu.memory_space<hbm>>) dst(%dma_wait3A_139 : memref<256x128xf32, #tpu.memory_space<vmem>>)
    %shift_right_logical3A_145 = arith.constant 51 : i32
    %shift_right_logical3A_146 = arith.constant 1 : i32
    %shift_right_logical3A_147 = arith.shrui %shift_right_logical3A_145, %shift_right_logical3A_146 : i32
    %and3A_148 = arith.constant 51 : i32
    %and3A_149 = arith.constant 1 : i32
    %and3A_150 = arith.andi %and3A_148, %and3A_149 : i32
    %mul3A_151 = arith.constant 16384 : i32
    %mul3A_152 = arith.muli %shift_right_logical3A_147, %mul3A_151 : i32
    %add3A_153 = arith.addi %mul3A_152, %mul3A_2 : i32
    %mul3A_154 = arith.constant 256 : i32
    %mul3A_155 = arith.muli %and3A_150, %mul3A_154 : i32
    %add3A_156 = arith.addi %add3A_153, %mul3A_155 : i32
    %dma_start3A_157 = arith.constant 0 : i32
    %dma_start3A_158 = arith.constant 0 : i32
    %dma_start3A_159 = arith.constant 0 : i32
    %dma_start3A_160 = tpu.memref_slice %arg7[%dma_start3A_157, %dma_start3A_158, %dma_start3A_159] : memref<3x256x128xf32, #tpu.memory_space<vmem>> -> memref<1x256x128xf32, #tpu.memory_space<vmem>>
    %dma_start3A_161 = tpu.memref_squeeze %dma_start3A_160 : memref<1x256x128xf32, #tpu.memory_space<vmem>> -> memref<256x128xf32, #tpu.memory_space<vmem>>
    %dma_start3A_162 = arith.constant 0 : i32
    %dma_start3A_163 = tpu.memref_slice %arg4[%add3A_156, %dma_start3A_162] : memref<425984x128xf32, #tpu.memory_space<hbm>> -> memref<256x128xf32, #tpu.memory_space<hbm>>
    %dma_start3A_164 = arith.constant 0 : i32
    %dma_start3A_165 = tpu.memref_slice %arg4[%add3A_156, %dma_start3A_164] : memref<425984x128xf32, #tpu.memory_space<hbm>> -> memref<256x128xf32, #tpu.memory_space<hbm>>
    %dma_start3A_166 = arith.constant 0 : i32
    %dma_start3A_167 = arith.constant 0 : i32
    %dma_start3A_168 = tpu.memref_slice %arg7[%dma_start3A_157, %dma_start3A_166, %dma_start3A_167] : memref<3x256x128xf32, #tpu.memory_space<vmem>> -> memref<1x256x128xf32, #tpu.memory_space<vmem>>
    %dma_start3A_169 = tpu.memref_squeeze %dma_start3A_168 : memref<1x256x128xf32, #tpu.memory_space<vmem>> -> memref<256x128xf32, #tpu.memory_space<vmem>>
    tpu.enqueue_dma source(%dma_start3A_169 : memref<256x128xf32, #tpu.memory_space<vmem>>) target(%dma_start3A_165 : memref<256x128xf32, #tpu.memory_space<hbm>>) target_semaphore(%arg10 : memref<!tpu.dma_semaphore, #tpu.memory_space<semaphore_mem>>)
    %shift_right_logical3A_170 = arith.constant 50 : i32
    %shift_right_logical3A_171 = arith.constant 1 : i32
    %shift_right_logical3A_172 = arith.shrui %shift_right_logical3A_170, %shift_right_logical3A_171 : i32
    %and3A_173 = arith.constant 50 : i32
    %and3A_174 = arith.constant 1 : i32
    %and3A_175 = arith.andi %and3A_173, %and3A_174 : i32
    %mul3A_176 = arith.constant 16384 : i32
    %mul3A_177 = arith.muli %shift_right_logical3A_172, %mul3A_176 : i32
    %add3A_178 = arith.addi %mul3A_177, %mul3A_2 : i32
    %mul3A_179 = arith.constant 256 : i32
    %mul3A_180 = arith.muli %and3A_175, %mul3A_179 : i32
    %add3A_181 = arith.addi %add3A_178, %mul3A_180 : i32
    %dma_wait3A_182 = arith.constant 2 : i32
    %dma_wait3A_183 = arith.constant 0 : i32
    %dma_wait3A_184 = arith.constant 0 : i32
    %dma_wait3A_185 = tpu.memref_slice %arg7[%dma_wait3A_182, %dma_wait3A_183, %dma_wait3A_184] : memref<3x256x128xf32, #tpu.memory_space<vmem>> -> memref<1x256x128xf32, #tpu.memory_space<vmem>>
    %dma_wait3A_186 = tpu.memref_squeeze %dma_wait3A_185 : memref<1x256x128xf32, #tpu.memory_space<vmem>> -> memref<256x128xf32, #tpu.memory_space<vmem>>
    %dma_wait3A_187 = arith.constant 0 : i32
    %dma_wait3A_188 = tpu.memref_slice %arg4[%add3A_181, %dma_wait3A_187] : memref<425984x128xf32, #tpu.memory_space<hbm>> -> memref<256x128xf32, #tpu.memory_space<hbm>>
    %dma_wait3A_189 = arith.constant 0 : i32
    %dma_wait3A_190 = tpu.memref_slice %arg4[%add3A_181, %dma_wait3A_189] : memref<425984x128xf32, #tpu.memory_space<hbm>> -> memref<256x128xf32, #tpu.memory_space<hbm>>
    %dma_wait3A_191 = arith.constant 0 : i32
    %dma_wait3A_192 = arith.constant 0 : i32
    %dma_wait3A_193 = tpu.memref_slice %arg7[%dma_wait3A_182, %dma_wait3A_191, %dma_wait3A_192] : memref<3x256x128xf32, #tpu.memory_space<vmem>> -> memref<1x256x128xf32, #tpu.memory_space<vmem>>
    %dma_wait3A_194 = tpu.memref_squeeze %dma_wait3A_193 : memref<1x256x128xf32, #tpu.memory_space<vmem>> -> memref<256x128xf32, #tpu.memory_space<vmem>>
    tpu.wait_dma2 semaphore(%arg10 : memref<!tpu.dma_semaphore, #tpu.memory_space<semaphore_mem>>) src(%dma_wait3A_194 : memref<256x128xf32, #tpu.memory_space<vmem>>) dst(%dma_wait3A_190 : memref<256x128xf32, #tpu.memory_space<hbm>>)
    %shift_right_logical3A_195 = arith.constant 51 : i32
    %shift_right_logical3A_196 = arith.constant 1 : i32
    %shift_right_logical3A_197 = arith.shrui %shift_right_logical3A_195, %shift_right_logical3A_196 : i32
    %and3A_198 = arith.constant 51 : i32
    %and3A_199 = arith.constant 1 : i32
    %and3A_200 = arith.andi %and3A_198, %and3A_199 : i32
    %mul3A_201 = arith.constant 16384 : i32
    %mul3A_202 = arith.muli %shift_right_logical3A_197, %mul3A_201 : i32
    %add3A_203 = arith.addi %mul3A_202, %mul3A_2 : i32
    %mul3A_204 = arith.constant 256 : i32
    %mul3A_205 = arith.muli %and3A_200, %mul3A_204 : i32
    %add3A_206 = arith.addi %add3A_203, %mul3A_205 : i32
    %dma_wait3A_207 = arith.constant 0 : i32
    %dma_wait3A_208 = arith.constant 0 : i32
    %dma_wait3A_209 = arith.constant 0 : i32
    %dma_wait3A_210 = tpu.memref_slice %arg7[%dma_wait3A_207, %dma_wait3A_208, %dma_wait3A_209] : memref<3x256x128xf32, #tpu.memory_space<vmem>> -> memref<1x256x128xf32, #tpu.memory_space<vmem>>
    %dma_wait3A_211 = tpu.memref_squeeze %dma_wait3A_210 : memref<1x256x128xf32, #tpu.memory_space<vmem>> -> memref<256x128xf32, #tpu.memory_space<vmem>>
    %dma_wait3A_212 = arith.constant 0 : i32
    %dma_wait3A_213 = tpu.memref_slice %arg4[%add3A_206, %dma_wait3A_212] : memref<425984x128xf32, #tpu.memory_space<hbm>> -> memref<256x128xf32, #tpu.memory_space<hbm>>
    %dma_wait3A_214 = arith.constant 0 : i32
    %dma_wait3A_215 = tpu.memref_slice %arg4[%add3A_206, %dma_wait3A_214] : memref<425984x128xf32, #tpu.memory_space<hbm>> -> memref<256x128xf32, #tpu.memory_space<hbm>>
    %dma_wait3A_216 = arith.constant 0 : i32
    %dma_wait3A_217 = arith.constant 0 : i32
    %dma_wait3A_218 = tpu.memref_slice %arg7[%dma_wait3A_207, %dma_wait3A_216, %dma_wait3A_217] : memref<3x256x128xf32, #tpu.memory_space<vmem>> -> memref<1x256x128xf32, #tpu.memory_space<vmem>>
    %dma_wait3A_219 = tpu.memref_squeeze %dma_wait3A_218 : memref<1x256x128xf32, #tpu.memory_space<vmem>> -> memref<256x128xf32, #tpu.memory_space<vmem>>
    tpu.wait_dma2 semaphore(%arg10 : memref<!tpu.dma_semaphore, #tpu.memory_space<semaphore_mem>>) src(%dma_wait3A_219 : memref<256x128xf32, #tpu.memory_space<vmem>>) dst(%dma_wait3A_215 : memref<256x128xf32, #tpu.memory_space<hbm>>)
    return
  }
}

module attributes {stable_mosaic.version = 14 : i64} {
  func.func @_tc_project_body(%arg0: i32, %arg1: i32, %arg2: memref<1x10000x101xf32, #tpu.memory_space<vmem>>, %arg3: memref<1x101x128xf32, #tpu.memory_space<vmem>>, %arg4: memref<1x1x128xf32, #tpu.memory_space<vmem>>, %arg5: memref<1x1x128xf32, #tpu.memory_space<vmem>>, %arg6: memref<1x1x128xf32, #tpu.memory_space<vmem>>, %arg7: memref<1x10000x128xf32, #tpu.memory_space<vmem>>) attributes {dimension_semantics = [#tpu.dimension_semantics<arbitrary>, #tpu.dimension_semantics<arbitrary>], iteration_bounds = array<i64: 26, 1>, scalar_prefetch = 0 : i64, scratch_operands = 0 : i64, tpu.core_type = #tpu.core_type<tc>, window_params = [{transform_indices = @transform_0, window_bounds = array<i64: 1, 10000, 101>}, {transform_indices = @transform_1, window_bounds = array<i64: 1, 101, 128>}, {transform_indices = @transform_2, window_bounds = array<i64: 1, 1, 128>}, {transform_indices = @transform_3, window_bounds = array<i64: 1, 1, 128>}, {transform_indices = @transform_4, window_bounds = array<i64: 1, 1, 128>}, {transform_indices = @transform_5, window_bounds = array<i64: 1, 10000, 128>}]} {
    %get3A = arith.constant 0 : index
    %get3A_0 = arith.constant 0 : index
    %get3A_1 = arith.constant 0 : index
    %get3A_2 = vector.load %arg2[%get3A, %get3A_0, %get3A_1] : memref<1x10000x101xf32, #tpu.memory_space<vmem>>, vector<1x10000x101xf32>
    %get3A_3 = vector.shape_cast %get3A_2 : vector<1x10000x101xf32> to vector<10000x101xf32>
    %get3A_4 = arith.constant 0 : index
    %get3A_5 = arith.constant 0 : index
    %get3A_6 = arith.constant 0 : index
    %get3A_7 = vector.load %arg3[%get3A_4, %get3A_5, %get3A_6] : memref<1x101x128xf32, #tpu.memory_space<vmem>>, vector<1x101x128xf32>
    %get3A_8 = vector.shape_cast %get3A_7 : vector<1x101x128xf32> to vector<101x128xf32>
    %dot_general3A = arith.constant dense<0.000000e+00> : vector<10000x128xf32>
    %dot_general3A_9 = tpu.matmul %get3A_3, %get3A_8, %dot_general3A {dimension_numbers = #tpu.dot_dimension_numbers<[1], [0], [0], [1], [0, 0, 1, 1], [], []>, transpose_lhs_hint = false} : vector<10000x101xf32>, vector<101x128xf32>, vector<10000x128xf32> -> vector<10000x128xf32>
    %get3A_10 = arith.constant 0 : index
    %get3A_11 = arith.constant 0 : index
    %get3A_12 = arith.constant 0 : index
    %get3A_13 = vector.load %arg4[%get3A_10, %get3A_11, %get3A_12] : memref<1x1x128xf32, #tpu.memory_space<vmem>>, vector<1x1x128xf32>
    %get3A_14 = vector.shape_cast %get3A_13 : vector<1x1x128xf32> to vector<1x128xf32>
    %squeeze3A = vector.shape_cast %get3A_14 : vector<1x128xf32> to vector<128xf32>
    %broadcast_in_dim3A = vector.shape_cast %squeeze3A : vector<128xf32> to vector<1x128xf32>
    %add3A = vector.broadcast %broadcast_in_dim3A : vector<1x128xf32> to vector<10000x128xf32>
    %add3A_15 = arith.addf %dot_general3A_9, %add3A : vector<10000x128xf32>
    %reduce_sum3A = arith.constant dense<0.000000e+00> : vector<10000xf32>
    %reduce_sum3A_16 = vector.multi_reduction <add>, %add3A_15, %reduce_sum3A [1] : vector<10000x128xf32> to vector<10000xf32>
    %broadcast_in_dim3A_17 = vector.shape_cast %reduce_sum3A_16 : vector<10000xf32> to vector<10000x1xf32>
    %div3A = arith.constant 1.280000e+02 : f32
    %div3A_18 = vector.broadcast %div3A : f32 to vector<10000x1xf32>
    %div3A_19 = arith.divf %broadcast_in_dim3A_17, %div3A_18 : vector<10000x1xf32>
    %sub3A = vector.broadcast %div3A_19 : vector<10000x1xf32> to vector<10000x128xf32>
    %sub3A_20 = arith.subf %add3A_15, %sub3A : vector<10000x128xf32>
    %mul3A = arith.mulf %sub3A_20, %sub3A_20 : vector<10000x128xf32>
    %reduce_sum3A_21 = arith.constant dense<0.000000e+00> : vector<10000xf32>
    %reduce_sum3A_22 = vector.multi_reduction <add>, %mul3A, %reduce_sum3A_21 [1] : vector<10000x128xf32> to vector<10000xf32>
    %broadcast_in_dim3A_23 = vector.shape_cast %reduce_sum3A_22 : vector<10000xf32> to vector<10000x1xf32>
    %div3A_24 = arith.constant 1.280000e+02 : f32
    %div3A_25 = vector.broadcast %div3A_24 : f32 to vector<10000x1xf32>
    %div3A_26 = arith.divf %broadcast_in_dim3A_23, %div3A_25 : vector<10000x1xf32>
    %add3A_27 = arith.constant 9.99999974E-6 : f32
    %add3A_28 = vector.broadcast %add3A_27 : f32 to vector<10000x1xf32>
    %add3A_29 = arith.addf %div3A_26, %add3A_28 : vector<10000x1xf32>
    %rsqrt3A = math.rsqrt %add3A_29 : vector<10000x1xf32>
    %mul3A_30 = vector.broadcast %rsqrt3A : vector<10000x1xf32> to vector<10000x128xf32>
    %mul3A_31 = arith.mulf %sub3A_20, %mul3A_30 : vector<10000x128xf32>
    %get3A_32 = arith.constant 0 : index
    %get3A_33 = arith.constant 0 : index
    %get3A_34 = arith.constant 0 : index
    %get3A_35 = vector.load %arg5[%get3A_32, %get3A_33, %get3A_34] : memref<1x1x128xf32, #tpu.memory_space<vmem>>, vector<1x1x128xf32>
    %get3A_36 = vector.shape_cast %get3A_35 : vector<1x1x128xf32> to vector<1x128xf32>
    %squeeze3A_37 = vector.shape_cast %get3A_36 : vector<1x128xf32> to vector<128xf32>
    %broadcast_in_dim3A_38 = vector.shape_cast %squeeze3A_37 : vector<128xf32> to vector<1x128xf32>
    %mul3A_39 = vector.broadcast %broadcast_in_dim3A_38 : vector<1x128xf32> to vector<10000x128xf32>
    %mul3A_40 = arith.mulf %mul3A_31, %mul3A_39 : vector<10000x128xf32>
    %get3A_41 = arith.constant 0 : index
    %get3A_42 = arith.constant 0 : index
    %get3A_43 = arith.constant 0 : index
    %get3A_44 = vector.load %arg6[%get3A_41, %get3A_42, %get3A_43] : memref<1x1x128xf32, #tpu.memory_space<vmem>>, vector<1x1x128xf32>
    %get3A_45 = vector.shape_cast %get3A_44 : vector<1x1x128xf32> to vector<1x128xf32>
    %squeeze3A_46 = vector.shape_cast %get3A_45 : vector<1x128xf32> to vector<128xf32>
    %broadcast_in_dim3A_47 = vector.shape_cast %squeeze3A_46 : vector<128xf32> to vector<1x128xf32>
    %add3A_48 = vector.broadcast %broadcast_in_dim3A_47 : vector<1x128xf32> to vector<10000x128xf32>
    %add3A_49 = arith.addf %mul3A_40, %add3A_48 : vector<10000x128xf32>
    %swap3A = arith.constant 0 : index
    %swap3A_50 = arith.constant 0 : index
    %swap3A_51 = arith.constant 0 : index
    %swap3A_52 = vector.load %arg7[%swap3A, %swap3A_50, %swap3A_51] : memref<1x10000x128xf32, #tpu.memory_space<vmem>>, vector<1x10000x128xf32>
    %swap3A_53 = vector.shape_cast %swap3A_52 : vector<1x10000x128xf32> to vector<10000x128xf32>
    %swap3A_54 = vector.shape_cast %add3A_49 : vector<10000x128xf32> to vector<1x10000x128xf32>
    tpu.vector_store %arg7[%swap3A, %swap3A_50, %swap3A_51], %swap3A_54 {strides = array<i32>} : memref<1x10000x128xf32, #tpu.memory_space<vmem>>, vector<1x10000x128xf32>,
    return
  }
  func.func @transform_0(%arg0: i32, %arg1: i32) -> (i32, i32, i32) {
    %c0_i32 = arith.constant 0 : i32
    %c0_i32_0 = arith.constant 0 : i32
    return %arg0, %arg1, %c0_i32 : i32, i32, i32
  }
  func.func @transform_1(%arg0: i32, %arg1: i32) -> (i32, i32, i32) {
    %c0_i32 = arith.constant 0 : i32
    %c0_i32_0 = arith.constant 0 : i32
    %c0_i32_1 = arith.constant 0 : i32
    return %arg0, %c0_i32, %c0_i32_0 : i32, i32, i32
  }
  func.func @transform_2(%arg0: i32, %arg1: i32) -> (i32, i32, i32) {
    %c0_i32 = arith.constant 0 : i32
    %c0_i32_0 = arith.constant 0 : i32
    %c0_i32_1 = arith.constant 0 : i32
    return %arg0, %c0_i32, %c0_i32_0 : i32, i32, i32
  }
  func.func @transform_3(%arg0: i32, %arg1: i32) -> (i32, i32, i32) {
    %c0_i32 = arith.constant 0 : i32
    %c0_i32_0 = arith.constant 0 : i32
    %c0_i32_1 = arith.constant 0 : i32
    return %arg0, %c0_i32, %c0_i32_0 : i32, i32, i32
  }
  func.func @transform_4(%arg0: i32, %arg1: i32) -> (i32, i32, i32) {
    %c0_i32 = arith.constant 0 : i32
    %c0_i32_0 = arith.constant 0 : i32
    %c0_i32_1 = arith.constant 0 : i32
    return %arg0, %c0_i32, %c0_i32_0 : i32, i32, i32
  }
  func.func @transform_5(%arg0: i32, %arg1: i32) -> (i32, i32, i32) {
    %c0_i32 = arith.constant 0 : i32
    %c0_i32_0 = arith.constant 0 : i32
    return %arg0, %arg1, %c0_i32 : i32, i32, i32
  }
}

module attributes {stable_mosaic.version = 14 : i64} {
  func.func @_tc_transpose_body(%arg0: i32, %arg1: memref<2048x26xi32, #tpu.memory_space<vmem>>, %arg2: memref<26x2048xi32, #tpu.memory_space<vmem>>) attributes {dimension_semantics = [#tpu.dimension_semantics<arbitrary>], iteration_bounds = array<i64: 8>, scalar_prefetch = 0 : i64, scratch_operands = 0 : i64, tpu.core_type = #tpu.core_type<tc>, window_params = [{transform_indices = @transform_0, window_bounds = array<i64: 2048, 26>}, {transform_indices = @transform_1, window_bounds = array<i64: 26, 2048>}]} {
    %get3A = arith.constant 0 : index
    %get3A_0 = arith.constant 0 : index
    %get3A_1 = vector.load %arg1[%get3A, %get3A_0] : memref<2048x26xi32, #tpu.memory_space<vmem>>, vector<2048x26xi32>
    %transpose3A = tpu.transpose %get3A_1, [1, 0] : vector<2048x26xi32> -> vector<26x2048xi32>
    %iota3A = tpu.iota {dimensions = array<i32: 0>} : vector<26x2048xi32>
    %mul3A = arith.constant 10000 : i32
    %mul3A_2 = vector.broadcast %mul3A : i32 to vector<26x2048xi32>
    %mul3A_3 = arith.muli %iota3A, %mul3A_2 : vector<26x2048xi32>
    %add3A = arith.addi %transpose3A, %mul3A_3 : vector<26x2048xi32>
    %swap3A = arith.constant 0 : index
    %swap3A_4 = arith.constant 0 : index
    %swap3A_5 = vector.load %arg2[%swap3A, %swap3A_4] : memref<26x2048xi32, #tpu.memory_space<vmem>>, vector<26x2048xi32>
    tpu.vector_store %arg2[%swap3A, %swap3A_4], %add3A {strides = array<i32>} : memref<26x2048xi32, #tpu.memory_space<vmem>>, vector<26x2048xi32>,
    return
  }
  func.func @transform_0(%arg0: i32) -> (i32, i32) {
    %c0_i32 = arith.constant 0 : i32
    %c0_i32_0 = arith.constant 0 : i32
    return %arg0, %c0_i32 : i32, i32
  }
  func.func @transform_1(%arg0: i32) -> (i32, i32) {
    %c0_i32 = arith.constant 0 : i32
    %c0_i32_0 = arith.constant 0 : i32
    return %c0_i32, %arg0 : i32, i32
  }
}

</mosaic_0001>

<sc_bundles>
// kernel: kernel.5.cloned.1.call-start
scs
__scs_entry_jumppad:
0x0: {  	(pc) =	sbr.rel $0x88, $3  }
0x1: {  	(tag) =	ssettag $0x0;
	lr =	simm.s32 $0x1  }
0x2: {  	[smem:$0x3F9B] =	sst lr;
	_ =	strace $0xD0000000  }
0x3: {  	_ = 	snop  }
0x4: {  	_ = 	snop  }
0x5: {  	_ = 	snop  }
0x6: {  	_ = 	snop  }
0x7: {  	_ = 	snop  }
__scs_overlays_trampoline_lowered:
0x8: {  	[smem:$0x3FAA] =	sst s0  }
0x9: {  	[smem:$0x3FAB] =	sst s1  }
0xa: {  	[smem:$0x3FAC] =	sst s2  }
0xb: {  	[smem:$0x3FAD] =	sst s3  }
0xc: {  	[smem:$0x3FAE] =	sst s4  }
0xd: {  	[smem:$0x3FAF] =	sst s5  }
0xe: {  	[smem:$0x3FB0] =	sst s6  }
0xf: {  	[smem:$0x3FB1] =	sst s7  }
0x10: {  	[smem:$0x3FB2] =	sst s8  }
0x11: {  	[smem:$0x3FB3] =	sst s9;
	s0 =	simm.s32 @!p0 $0x0  }
0x12: {  	s1 =	sld [smem:$0x3F99];
	s0 =	simm.s32 @p0 $0x1  }
0x13: {  	[smem:$0x3FB4] =	sst s0;
	s0 =	simm.s32 @!p1 $0x0  }
0x14: {  	s2 =	sld [smem:$0x3F98];
	s0 =	simm.s32 @p1 $0x1  }
0x15: {  	[smem:$0x3FB5] =	sst s0;
	s0 =	simm.s32 @!p2 $0x0  }
0x16: {  	s3 =	sld [smem:$0x3FDB];
	s0 =	simm.s32 @p2 $0x1  }
0x17: {  	s4 =	simm.s32 $0x1BF5;
	[smem:$0x3FB7] =	sst s0  }
0x18: {  	s0 =	sld [smem:$0x3F9A];
	_ =	swait.ge [sflag:s4], $0x0  }
0x19: {  	s7 =	sld [smem:$0x3F9B]  }
0x1a: {  	s8 =	sadd.s32 $0xFFFFE003, lr  }
0x1b: {  	s9 =	sadd.s32 $0xFFFFFEF7, lr;
	s5 =	simm.s32 $0xFFFFFFFF;
	p2 =	slt.u32 s8, $0xFFFFF086  }
0x1c: {  	p1 =	slt.u32 s9, $0xF7A;
	s5 =	simm.s32 @!p2 $0x0  }
0x1d: {  	s5 =	simm.s32 @p1 $0x1;
	p0 =	seq.s32 s7, s2  }
0x1e: {  	s7 =	smul.u32 @!p0 $0xF7A, s2;
	p2 =	seq.s32 @!p0 s5, $0x0  }
0x1f: {  	s9 =	smul.u32 $0xF7A, s1;
	s8 =	simm.s32 @!p0 $0x1BF5;
	p2 =	por !p2, p0  }
0x20: {  	[sflag:s8] =	ssyncset.s32 @!p0 $0xFFFFF086;
	s6 =	sadd.s32 @!p0 s3, s7;
	s7 =	simm.s32 @!p0 $0x108  }
0x21: {  	s3 =	sadd.s32 s3, s9;
	s6 =	sadd.s32 @!p0 $0x88, s6;
	s7 =	simm.s32 @p2 $0x1082  }
0x22: {  	[simem:s7], [sflag:s8] =	dma.local @!p0 [hbm:s6], $0xF7A  }
0x23: {  	s9 =	sor.u32 $0xD0000000, s2;
	s6 =	simm.s32 $0x108;
	_ =	swait.ge @!p0 [sflag:s8], $0x0  }
0x24: {  	s3 =	sadd.s32 $0x88, s3;
	s6 =	simm.s32 @!p1 $0x1082;
	[sflag:s4] =	ssyncset.s32 $0xFFFFF086  }
0x25: {  	[simem:s6], [sflag:s4] =	dma.local [hbm:s3], $0xF7A  }
0x26: {  	[smem:$0x3F9B] =	sst s1;
	(tag) =	ssettag s2;
	_ =	strace s9  }
0x27: {  	s1 =	sld [smem:$0x3FAB]  }
0x28: {  	s2 =	sld [smem:$0x3FAC]  }
0x29: {  	s4 =	sld [smem:$0x3FAE]  }
0x2a: {  	p0 =	seq.s32 s5, $0x0;
	s5 =	sld [smem:$0x3FAF]  }
0x2b: {  	s6 =	sld [smem:$0x3FB0]  }
0x2c: {  	s7 =	sld [smem:$0x3FB1]  }
0x2d: {  	s3 =	simm.s32 $0x108;
	s8 =	sld [smem:$0x3FB2]  }
0x2e: {  	s3 =	simm.s32 @!p0 $0x1082;
	s9 =	sld [smem:$0x3FB3]  }
0x2f: {  	lr =	sadd.s32 s0, s3;
	s0 =	sld [smem:$0x3FAA]  }
0x30: {  	s3 =	sld [smem:$0x3FAD]  }
0x31: {  	[smem:$0x3FB6] =	sst s10  }
0x32: {  	s10 =	sld [smem:$0x3FB4];
	_ =	sdelay $0x3  }
0x33: {  	p0 =	seq.s32 s10, $0x1;
	s10 =	sld [smem:$0x3FB6];
	_ =	sdelay $0x3  }
0x34: {  	[smem:$0x3FB6] =	sst s10  }
0x35: {  	s10 =	sld [smem:$0x3FB5];
	_ =	sdelay $0x3  }
0x36: {  	p1 =	seq.s32 s10, $0x1;
	s10 =	sld [smem:$0x3FB6];
	_ =	sdelay $0x3  }
0x37: {  	[smem:$0x3FB6] =	sst s10  }
0x38: {  	s10 =	sld [smem:$0x3FB7]  }
0x39: {  	_ = 	snop;
	(pc) =	sbr.ind lr, $3  }
0x3a: {  	_ = 	snop  }
0x3b: {  	_ = 	snop  }
0x3c: {  	p2 =	seq.s32 s10, $0x1;
	s10 =	sld [smem:$0x3FB6]  }
0x3d: {  	_ =	shalt  }
0x3e: {  	_ =	shalt  }
0x3f: {  	_ =	shalt  }
0x40: {  	_ =	shalt  }
0x41: {  	_ =	shalt  }
0x42: {  	_ =	shalt  }
0x43: {  	_ =	shalt  }
0x44: {  	_ =	shalt  }
0x45: {  	_ =	shalt  }
0x46: {  	_ =	shalt  }
0x47: {  	_ =	shalt  }
0x48: {  	_ =	shalt  }
0x49: {  	_ =	shalt  }
0x4a: {  	_ =	shalt  }
0x4b: {  	_ =	shalt  }
0x4c: {  	_ =	shalt  }
0x4d: {  	_ =	shalt  }
0x4e: {  	_ =	shalt  }
0x4f: {  	_ =	shalt  }
0x50: {  	_ =	shalt  }
0x51: {  	_ =	shalt  }
0x52: {  	_ =	shalt  }
0x53: {  	_ =	shalt  }
0x54: {  	_ =	shalt  }
0x55: {  	_ =	shalt  }
0x56: {  	_ =	shalt  }
0x57: {  	_ =	shalt  }
0x58: {  	_ =	shalt  }
0x59: {  	_ =	shalt  }
0x5a: {  	_ =	shalt  }
0x5b: {  	_ =	shalt  }
0x5c: {  	_ =	shalt  }
0x5d: {  	_ =	shalt  }
0x5e: {  	_ =	shalt  }
0x5f: {  	_ =	shalt  }
0x60: {  	_ =	shalt  }
0x61: {  	_ =	shalt  }
0x62: {  	_ =	shalt  }
0x63: {  	_ =	shalt  }
0x64: {  	_ =	shalt  }
0x65: {  	_ =	shalt  }
0x66: {  	_ =	shalt  }
0x67: {  	_ =	shalt  }
0x68: {  	_ =	shalt  }
0x69: {  	_ =	shalt  }
0x6a: {  	_ =	shalt  }
0x6b: {  	_ =	shalt  }
0x6c: {  	_ =	shalt  }
0x6d: {  	_ =	shalt  }
0x6e: {  	_ =	shalt  }
0x6f: {  	_ =	shalt  }
0x70: {  	_ =	shalt  }
0x71: {  	_ =	shalt  }
0x72: {  	_ =	shalt  }
0x73: {  	_ =	shalt  }
0x74: {  	_ =	shalt  }
0x75: {  	_ =	shalt  }
0x76: {  	_ =	shalt  }
0x77: {  	_ =	shalt  }
0x78: {  	_ =	shalt  }
0x79: {  	_ =	shalt  }
0x7a: {  	_ =	shalt  }
0x7b: {  	_ =	shalt  }
0x7c: {  	_ =	shalt  }
0x7d: {  	_ =	shalt  }
0x7e: {  	_ =	shalt  }
0x7f: {  	_ =	shalt  }
0x80: {  	_ =	shalt  }
0x81: {  	_ =	shalt  }
0x82: {  	_ =	shalt  }
0x83: {  	_ =	shalt  }
0x84: {  	_ =	shalt  }
0x85: {  	_ =	shalt  }
0x86: {  	_ =	shalt  }
0x87: {  	_ =	shalt  }
.Lfunc_end0:
.L_simem_size_0:
called_computation_lowered:
.L_overlay_start_0:
0x88: {  	s2 =	sld [smem:$0x3FD9]  }
0x89: {  	s3 =	sld [smem:$0x3FFE];
	_ =	sdelay $0x1  }
0x8a: {  	s1 =	srdreg.scid  }
0x8b: {  	s0 =	sand.u32 $0x1, s1  }
0x8c: {  	s17 =	sshll.u32 s0, $0xA;
	s2 =	sadd.s32 s3, s2  }
0x8d: {  	s2 =	sadd.s32 s2, s17  }
0x8e: {  	[smem:$0x3FC2] =	sst s2  }
0x8f: {  	_ = 	snop  }
0x90: {  	s2 =	sld [smem:$0x3FD0];
	(tm) =	ssettm $0x1  }
0x91: {  	s18 =	sld [smem:$0x3FFB];
	_ =	sdelay $0x3  }
0x92: {  	_ =	strace s18  }
0x93: {  	s3 =	sld [smem:$0x3FFC];
	_ =	sdelay $0x3  }
0x94: {  	_ =	strace s3  }
0x95: {  	s3 =	sld [smem:$0x3FFD];
	_ =	sdelay $0x3  }
0x96: {  	_ =	strace s3  }
0x97: {  	_ =	strace $0x8FFFFFFF  }
0x98: {  	s19 =	sld [smem:$0x3FDB];
	_ =	sdelay $0x1  }
0x99: {  	s4 =	simm.s32 $_scs_section_size  }
0x9a: {  	s5 =	simm.s32 $_size__tile_overlayer_lowered;
	s6 =	simm.s32 $_tile_overlayer_lowered  }
0x9b: {  	s22 =	simm.s32 $0x1BFF;
	s21 =	sshll.u32 s6, $0x1;
	s3 =	sadd.s32 s4, s19  }
0x9c: {  	s7 =	simm.s32 $0x0;
	s20 =	sshll.u32 s5, $0x1;
	s5 =	sadd.s32 s21, s3  }
0x9d: {  	[timem:s7], [sflag:s22] =	dma.local [hbm:s5], s20  }
0x9e: {  	_ =	swait.ge [sflag:s22], s20  }
0x9f: {  	s4 =	ssub.s32 $0x0, s20;
	[sflag:s22] =	ssyncset.done $0x0  }
0xa0: {  	[sflag:s22] =	ssyncadd.s32 s4;
	_ =	sdelay $0x1  }
0xa1: {  	s23 =	simm.s32 $0x1B8B  }
0xa2: {  	_ =	swait.ge [sflag:s23], $0x1  }
0xa3: {  	[sflag:s23] =	ssyncset.done $0x0  }
0xa4: {  	s25 =	simm.s32 $0x1B8E;
	s24 =	sld [smem:$0x3FFE];
	[sflag:s23] =	ssyncadd.s32 $0xFFFFFFFF  }
0xa5: {  	s26 =	simm.s32 $execute0_lowered;
	[smem:$0x3FD2] =	sst s25  }
0xa6: {  	s5 =	sshll.u32 s26, $0x1;
	_ =	strace $0x80000046;
	[dreg:$0x1] =	wrdreg $0xFFFFFFFF  }
0xa7: {  	s28 =	simm.s32 $_size_execute0_lowered;
	s3 =	sadd.s32 s3, s5;
	[dreg:$0x0] =	wrdreg $0x0  }
0xa8: {  	s5 =	sshll.u32 s28, $0x1;
	[dreg:$0x2] =	wrdreg s3  }
0xa9: {  	[dreg:$0x3] =	wrdreg s5  }
0xaa: {  	[dreg:$0x4] =	wrdreg $0xC0  }
0xab: {  	_ =	task [dreg:s7], $0x5FFFF  }
0xac: {  	[dreg:$0x1] =	wrdreg $0xFFFFFFFF  }
0xad: {  	[dreg:$0x0] =	wrdreg $0x60  }
0xae: {  	[dreg:$0x2] =	wrdreg s24  }
0xaf: {  	[dreg:$0x3] =	wrdreg s2  }
0xb0: {  	[dreg:$0x4] =	wrdreg $0x9  }
0xb1: {  	_ =	task.clear_ibuf [dreg:s7], $0x5FFFF;
	_ =	strace $0x90000046  }
0xb2: {  	s29 =	simm.s32 $0x9;
	_ =	strace $0x80000048  }
0xb3: {  	_ =	swait.ge [sflag:s29], $0x1  }
0xb4: {  	[sflag:s29] =	ssyncadd.s32 $0xFFFFFFFF  }
0xb5: {  	_ =	strace $0x90000048  }
0xb6: {  	_ =	sfence  }
0xb7: {  	s30 =	sld [smem:$0x0];
	_ =	sdelay $0x2  }
0xb8: {  	s31 =	sshll.u32 s1, $0xD;
	s1 =	sshrl.u32 s1, $0x2  }
0xb9: {  	s3 =	sand.u32 $0x4000, s31;
	s1 =	sadd.s32 s1, s30  }
0xba: {  	s0 =	sor.u32 s3, s0;
	s1 =	sshll.u32 s1, $0x11  }
0xbb: {  	s0 =	sor.u32 s1, s0  }
0xbc: {  	s0 =	sadd.s32 $0x8F2B, s0  }
0xbd: {  	[sflag:s0] =	ssyncadd.remote.s32 $0x1  }
0xbe: {  	_ =	sfence.sel $0xFFFF  }
0xbf: {  	[dreg:$0x0] =	wrdreg $0xFFFFFFFF;
	(pc) =	sbr.abs _section_cstart, $3  }
0xc0: {  	[dreg:$0x1] =	wrdreg $0xFFFFFFFF  }
0xc1: {  	_ =	task.clear_ibuf [dreg:s7], $0x2FFFF;
	_ =	strace $0x9FFFFFFF  }
0xc2: {  	(tm) =	ssettm $0x7FFFFFFF  }
0xc3: {  	_ =	shalt  }
tec
execute0_lowered:
.L_overlay_start_1:
0x0: {  	(tag) =	ssettag $0x1  }
0x1: {  	s0 =	rddreg [dreg:$0x0]  }
0x2: {  	s2 =	rddreg [dreg:$0x1];
	s4 =	srdreg.scid;
	s3 =	simm.s32 $0x0  }
0x3: {  	s1 =	stileid.u32;
	s13 =	simm.s32 $0x3;
	s14 =	simm.s32 $0x4000  }
0x4: {  	s15 =	simm.s32 $0x7400;
	s16 =	simm.s32 $0x4100;
	s17 =	simm.s32 $0xF400  }
0x5: {  	s18 =	simm.s32 $0x1;
	s19 =	simm.s32 $0x4200;
	s20 =	simm.s32 $0x17400  }
0x6: {  	s31 =	simm.s32 $0x100;
	s21 =	simm.s32 $0x2;
	s22 =	simm.s32 $0x0  }
0x7: {  	s5 =	sand.u32 $0x1, s4;
	[smem:$0x7FF] =	sst s3;
	s28 =	sshll.u32 s1, $0xA  }
0x8: {  	s6 =	sshll.u32 s5, $0x9;
	_ =	strace $0x80000047;
	s29 =	ssub.s32 $0x2, s5  }
0x9: {  	s5 =	sadd.s32 $0x10800, s0;
	[dreg:$0x3] =	wrdreg s31;
	s4 =	sor.u32 s6, s28  }
0xa: {  	s8 =	sshrl.u32 s29, $0x1;
	s7 =	sadd.s32 s4, s0;
	s9 =	sshll.u32 s4, $0x4  }
0xb: {  	s30 =	ssub.s32 s29, s8;
	s6 =	sadd.s32 s2, s9;
	s7 =	sadd.s32 $0x800, s7  }
0xc: {  	s10 =	smax.u32 s30, $0x1;
	s8 =	sadd.s32 $0x640000, s6;
	s9 =	sadd.s32 $0x641000, s6  }
.LBB2_1:
0xd: {  	s0 =	simm.s32 $0x1000  }
0xe: {  	s1 =	simm.s32 $0x20000;
	s29 =	sand.u32 $0x3000, s3;
	s23 =	sand.u32 $0xC00, s3  }
0xf: {  	[tilespmem:s3], [sflag:$0x3] =	stream.strided.gather [hbm4b:s7+s0], $0x4000, s1, s0, $0x38;
	[tilespmem:$0x1F400] =	vst v63  }
0x10: {  	s24 =	sand.u32 $0x380, s3;
	s0 =	sor.u32 s23, s29;
	_ =	swait.ge [sflag:s13], $0x4000  }
0x11: {  	s30 =	sand.u32 $0x70, s3;
	s0 =	sor.u32 s24, s0;
	[sflag:s13] =	ssyncset.done $0x0  }
0x12: {  	s0 =	sor.u32 s30, s0;
	[sflag:s13] =	ssyncadd.s32 $0xFFFFC000  }
0x13: {  	v0 =	vld [tilespmem:s0+$0x0]  }
0x14: {  	s31 =	simm.s32 $0x10;
	s23 =	simm.s32 $0x80  }
0x15: {  	s25 =	sand.u32 $0x3000, s31;
	s24 =	simm.s32 $0x4;
	s26 =	sand.u32 $0xC00, s23  }
0x16: {  	s28 =	sand.u32 $0x380, s24;
	s25 =	sor.u32 s26, s25  }
0x17: {  	s25 =	sor.u32 s28, s25;
	s0 =	sand.u32 $0x70, s31  }
0x18: {  	s0 =	sor.u32 s0, s25;
	[tilespmem:s14+$0x0] =	vst v0  }
0x19: {  	s26 =	simm.s32 $0x4000;
	s25 =	simm.s32 $0x20;
	v0 =	vld [tilespmem:s0+$0x0]  }
.LBB2_2:
0x1a: {  	s0 =	sand.u32 $0x3000, s25;
	s24 =	sadd.s32 $0x4, s24  }
0x1b: {  	s23 =	sadd.s32 $0x80, s23;
	s28 =	smov.u32 s25;
	p0 =	sne.s32 s25, $0x33F0  }
.Ltmp0:
0x1c: {  	s25 =	sadd.s32 $0x10, s25;
	s29 =	sand.u32 $0xC00, s23;
	(pc) =	sbr.rel @p0 .LBB2_2-.Ltmp0, $4  }
0x1d: {  	s30 =	sand.u32 $0x380, s24;
	s0 =	sor.u32 s29, s0  }
0x1e: {  	s26 =	sadd.s32 $0x10, s26;
	s28 =	sand.u32 $0x70, s28;
	s0 =	sor.u32 s30, s0  }
0x1f: {  	s0 =	sor.u32 s28, s0;
	[tilespmem:s26+$0x0] =	vst v0  }
0x20: {  	v0 =	vld [tilespmem:s0+$0x0]  }
0x21: {  	s23 =	simm.s32 $0x3  }
0x22: {  	s24 =	smul.u32 $0xAB, s23;
	_ =	sdelay $0x1  }
0x23: {  	s0 =	sadd.s32 $0x10, s26;
	s23 =	sadd.s32 $0xFFFFFEAA, s24  }
0x24: {  	s11 =	simm.s32 $0x100;
	[tilespmem:s0+$0x0] =	vst v0;
	s23 =	sshrl.u32 s23, $0x9  }
0x25: {  	[tilespmem:s15], [sflag:$0x1] =	stream.indirect.gather [hbm4b:s5+s11], $0x80, s14, s11, $0xb8;
	[tilespmem:$0x1F400] =	vst v63  }
0x26: {  	s28 =	simm.s32 $0x2000;
	s23 =	sand.u32 $0x7F, s23  }
0x27: {  	[tilespmem:s17], [sflag:$0x1] =	stream.indirect.gather [hbm4b:s5+s11], $0x80, s16, s11, $0xb8;
	[tilespmem:$0x1F400] =	vst v63  }
0x28: {  	s25 =	simm.s32 $0x4300;
	s12 =	smul.u32 $0x3, s23;
	_ =	swait.ge [sflag:s18], $0x8000  }
0x29: {  	s28 =	sand.u32 $0x7C000, s28;
	s24 =	sshrl.u32 s24, $0x9;
	[sflag:s18] =	ssyncset.done $0x0  }
0x2a: {  	s0 =	sand.u32 $0x100, s11;
	s26 =	ssub.s32 $0x3, s12;
	[sflag:s18] =	ssyncadd.s32 $0xFFFF8000  }
0x2b: {  	[hbm4b:s6+s3] =	stream.linear.scatter [tilespmem:s15], [sflag:$0x2], $0x8000, $0x38;
	[tilespmem:$0x1F400] =	vst v63  }
0x2c: {  	s0 =	sor.u32 s0, s28;
	s23 =	simm.s32 $0x4;
	s26 =	sadd.s32 $0xFFFFFFFE, s26  }
0x2d: {  	[tilespmem:s20], [sflag:$0x1] =	stream.indirect.gather [hbm4b:s5+s11], $0x80, s19, s11, $0xb8;
	[tilespmem:$0x1F400] =	vst v63  }
0x2e: {  	s0 =	sor.u32 s4, s0;
	s26 =	sand.u32 $0xFF, s26;
	_ =	swait.ge [sflag:s18], $0x8000  }
0x2f: {  	s0 =	sshll.u32 s0, $0x4;
	s26 =	sshll.u32 s26, $0xF;
	[sflag:s18] =	ssyncset.done $0x0  }
0x30: {  	s0 =	sadd.s32 s2, s0;
	s26 =	sor.u32 $0x7400, s26;
	[sflag:s18] =	ssyncadd.s32 $0xFFFF8000  }
0x31: {  	[hbm4b:s0+s3] =	stream.linear.scatter [tilespmem:s26], [sflag:$0x2], $0x8000, $0x38;
	[tilespmem:$0x1F400] =	vst v63  }
0x32: {  	s31 =	simm.s32 $0x5;
	s29 =	smul.u32 $0xAB, s23;
	s26 =	sand.u32 $0x7F, s24  }
0x33: {  	s28 =	simm.s32 $0x4000;
	_ =	swait.ge [sflag:s21], $0x8000;
	s0 =	smul.u32 $0x3, s26  }
0x34: {  	s24 =	simm.s32 $0x4400;
	s26 =	simm.s32 $0x200;
	[sflag:s21] =	ssyncset.done $0x0  }
0x35: {  	s30 =	rddreg [dreg:$0x3];
	[sflag:s21] =	ssyncadd.s32 $0xFFFF8000;
	s0 =	ssub.s32 $0x3, s0  }
.LBB2_4:
0x36: {  	s1 =	sadd.s32 $0xFFFFFEAA, s29  }
0x37: {  	s0 =	sand.u32 $0xFF, s0;
	s11 =	smov.u32 s23;
	s1 =	sshrl.u32 s1, $0x9  }
0x38: {  	s23 =	smov.u32 s31;
	s0 =	sshll.u32 s0, $0xF;
	s1 =	sand.u32 $0x7F, s1  }
0x39: {  	s12 =	sadd.s32 $0x1, s31;
	s0 =	sor.u32 $0x7400, s0;
	s1 =	smul.u32 $0x3, s1  }
0x3a: {  	[tilespmem:s0], [sflag:$0x1] =	stream.indirect.gather [hbm4b:s5+s30], $0x80, s25, s30, $0xb8;
	[tilespmem:$0x1F400] =	vst v63  }
0x3b: {  	s0 =	sand.u32 $0x100, s26;
	s25 =	sand.u32 $0x7C000, s28;
	s1 =	ssub.s32 s11, s1  }
0x3c: {  	p0 =	sne.s32 s31, $0x33;
	s0 =	sor.u32 s0, s25;
	s1 =	sadd.s32 $0xFFFFFFFE, s1  }
0x3d: {  	_ =	swait.ge [sflag:s18], $0x8000;
	s0 =	sor.u32 s4, s0;
	s1 =	sand.u32 $0xFF, s1  }
0x3e: {  	[sflag:s18] =	ssyncset.done $0x0;
	s0 =	sshll.u32 s0, $0x4;
	s1 =	sshll.u32 s1, $0xF  }
0x3f: {  	[sflag:s18] =	ssyncadd.s32 $0xFFFF8000;
	s0 =	sadd.s32 s2, s0;
	s1 =	sor.u32 $0x7400, s1  }
0x40: {  	[hbm4b:s0+s3] =	stream.linear.scatter [tilespmem:s1], [sflag:$0x2], $0x8000, $0x38;
	[tilespmem:$0x1F400] =	vst v63  }
.Ltmp1:
0x41: {  	s31 =	smov.u32 s12;
	s25 =	sshrl.u32 s29, $0x9;
	(pc) =	sbr.rel @p0 .LBB2_4-.Ltmp1, $4  }
0x42: {  	s26 =	sadd.s32 $0x100, s26;
	s29 =	smul.u32 $0xAB, s23;
	s1 =	sand.u32 $0x7F, s25  }
0x43: {  	s28 =	sadd.s32 $0x2000, s28;
	_ =	swait.ge [sflag:s21], $0x8000;
	s0 =	smul.u32 $0x3, s1  }
0x44: {  	s25 =	smov.u32 s24;
	s24 =	sadd.s32 $0x100, s24;
	[sflag:s21] =	ssyncset.done $0x0  }
0x45: {  	s30 =	rddreg [dreg:$0x3];
	[sflag:s21] =	ssyncadd.s32 $0xFFFF8000;
	s0 =	ssub.s32 s11, s0  }
0x46: {  	s1 =	sadd.s32 $0xFFFFFEAA, s29  }
0x47: {  	s0 =	sand.u32 $0xFF, s0;
	s26 =	sand.u32 $0x100, s26;
	s1 =	sshrl.u32 s1, $0x9  }
0x48: {  	s11 =	sand.u32 $0x7C000, s28;
	s0 =	sshll.u32 s0, $0xF;
	s1 =	sand.u32 $0x7F, s1  }
0x49: {  	s29 =	sshrl.u32 s29, $0x9;
	s0 =	sor.u32 $0x7400, s0;
	s1 =	smul.u32 $0x3, s1  }
0x4a: {  	[tilespmem:s0], [sflag:$0x1] =	stream.indirect.gather [hbm4b:s5+s30], $0x80, s25, s30, $0xb8;
	[tilespmem:$0x1F400] =	vst v63  }
0x4b: {  	s0 =	sor.u32 s26, s11;
	s11 =	sand.u32 $0x7F, s29;
	s1 =	ssub.s32 s23, s1  }
0x4c: {  	_ =	swait.ge [sflag:s18], $0x8000;
	s0 =	sor.u32 s4, s0;
	s1 =	sadd.s32 $0xFFFFFFFE, s1  }
0x4d: {  	s11 =	smul.u32 $0x3, s11;
	[sflag:s18] =	ssyncset.done $0x0;
	s1 =	sand.u32 $0xFF, s1  }
0x4e: {  	s0 =	sshll.u32 s0, $0x4;
	[sflag:s18] =	ssyncadd.s32 $0xFFFF8000;
	s1 =	sshll.u32 s1, $0xF  }
0x4f: {  	s0 =	sadd.s32 s2, s0;
	s30 =	ssub.s32 s23, s11;
	s1 =	sor.u32 $0x7400, s1  }
0x50: {  	[hbm4b:s0+s3] =	stream.linear.scatter [tilespmem:s1], [sflag:$0x2], $0x8000, $0x38;
	[tilespmem:$0x1F400] =	vst v63  }
0x51: {  	s0 =	sand.u32 $0xFF, s30;
	_ =	swait.ge [sflag:s21], $0x8000  }
0x52: {  	s0 =	sshll.u32 s0, $0xF;
	[sflag:s21] =	ssyncset.done $0x0  }
0x53: {  	s31 =	rddreg [dreg:$0x3];
	s0 =	sor.u32 $0x7400, s0;
	[sflag:s21] =	ssyncadd.s32 $0xFFFF8000  }
0x54: {  	[tilespmem:s0], [sflag:$0x1] =	stream.indirect.gather [hbm4b:s5+s31], $0x80, s24, s31, $0xb8;
	[tilespmem:$0x1F400] =	vst v63  }
0x55: {  	_ =	swait.ge [sflag:s18], $0x8000  }
0x56: {  	[sflag:s18] =	ssyncset.done $0x0  }
0x57: {  	[sflag:s18] =	ssyncadd.s32 $0xFFFF8000  }
0x58: {  	[hbm4b:s8+s3] =	stream.linear.scatter [tilespmem:s20], [sflag:$0x2], $0x8000, $0x38;
	[tilespmem:$0x1F400] =	vst v63  }
0x59: {  	_ =	swait.ge [sflag:s21], $0x8000  }
0x5a: {  	[sflag:s21] =	ssyncset.done $0x0  }
0x5b: {  	[sflag:s21] =	ssyncadd.s32 $0xFFFF8000  }
0x5c: {  	_ =	swait.ge [sflag:s18], $0x8000  }
0x5d: {  	[sflag:s18] =	ssyncset.done $0x0  }
0x5e: {  	s22 =	sadd.s32 $0x1, s22;
	[sflag:s18] =	ssyncadd.s32 $0xFFFF8000  }
0x5f: {  	[hbm4b:s9+s3] =	stream.linear.scatter [tilespmem:s15], [sflag:$0x2], $0x8000, $0x38;
	[tilespmem:$0x1F400] =	vst v63  }
0x60: {  	p0 =	sne.s32 s22, s10;
	_ =	swait.ge [sflag:s21], $0x8000  }
.Ltmp2:
0x61: {  	[sflag:s21] =	ssyncset.done $0x0;
	(pc) =	sbr.rel @p0 .LBB2_1-.Ltmp2, $4  }
0x62: {  	[sflag:s21] =	ssyncadd.s32 $0xFFFF8000  }
0x63: {  	_ =	swait.ge [sflag:s21], $0x8000  }
0x64: {  	[sflag:s21] =	ssyncset.done $0x0  }
0x65: {  	[sflag:s21] =	ssyncadd.s32 $0xFFFF8000  }
0x66: {  	_ =	sfence.sel $0x180000  }
0x67: {  	[bflag:$0x0] =	sbarrier.arrive $0xFFFF  }
0x68: {  	_ =	strace $0x90000047  }
0x69: {  	s0 =	stileid.u32;
	[bflag:$0x2] =	sbarrier.arrive $0xFFFF  }
0x6a: {  	p0 =	sne.s32 s0, $0x0;
	s0 =	rddreg [dreg:$0x2]  }
0x6b: {  	s0 =	sadd.s32 @!p0 $0x100000, s0  }
0x6c: {  	[sflag:s0] =	ssyncadd.tile.s32 @!p0 $0x1;
	_ =	shalt  }
.Lfunc_end2:
_tile_overlayer_lowered:
.L_overlay_start_2:
0x6d: {  	(tag) =	ssettag $0x2  }
0x6e: {  	s0 =	rddreg [dreg:$0x0];
	s2 =	stileid.u32  }
0x6f: {  	s1 =	rddreg [dreg:$0x1];
	p0 =	sne.s32 s2, $0x0  }
0x70: {  	s3 =	rddreg [dreg:$0x2];
	[bflag:$0x3] =	sbarrier.arrive $0xFFFF;
	s2 =	simm.s32 @!p0 $0x1C03  }
0x71: {  	[timem:s3], [sflag:s2] =	dma.local @!p0 [hbm:s0], s1  }
0x72: {  	s0 =	simm.s32 @!p0 $0x3  }
0x73: {  	_ =	swait.ge @!p0 [sflag:s0], s1  }
0x74: {  	s1 =	ssub.s32 @!p0 $0x0, s1;
	[sflag:s0] =	ssyncset.done @!p0 $0x0  }
0x75: {  	[sflag:s0] =	ssyncadd.s32 @!p0 s1  }
0x76: {  	[bflag:$0x3] =	sbarrier.arrive $0xFFFF  }
0x77: {  	_ =	shalt  }

</sc_bundles>
